<compile_context>
chip_gen: v7x
topology: tpu7x:2x2x1
jax: 0.10.2.dev20260603
libtpu: 0.0.44.dev20260713+nightly
codegen_flags: <defaults>
</compile_context>

<pallas_src>
import jax
import jax.numpy as jnp
from jax.experimental import pallas as pl
from jax.experimental.pallas import tpu as pltpu

_PH = 32
_FS = 16
_N = _PH * _PH
_LEVELS = 3
_KEEP = 85
_SCALE = 8.0


def _mean_body(x_ref, c_ref):
    xb = x_ref[0]
    c_ref[0] = (xb[0] + xb[1] + xb[2]) / 3.0


def _tree(v, axis):
    n = v.shape[axis]
    while n > 1:
        h = n // 2
        if axis == 1:
            v = v[:, :h] + v[:, h:]
        else:
            v = v[:, :, :, :h] + v[:, :, :, h:]
        n = h
    return v


def _psum(m, first_axis):
    v = m.reshape(_PH, _FS, _PH, _FS)
    v = _tree(v, first_axis)
    v = _tree(v, 4 - first_axis)
    return v[:, 0, :, 0]


def _main_body(dirn_ref, out_ref, dscr):
    dirn = dirn_ref[0]

    dscr[...] = jnp.full((34, 34), 4, jnp.int32)
    dscr[1:33, 1:33] = dirn
    dpad = dscr[...]
    s7 = dpad[:-2, :-2]; s8 = dpad[:-2, 1:-1]; s9 = dpad[:-2, 2:]
    s4 = dpad[1:-1, :-2]; s6 = dpad[1:-1, 2:]
    s1 = dpad[2:, :-2]; s2 = dpad[2:, 1:-1]; s3 = dpad[2:, 2:]
    oh = [(dirn == k).astype(jnp.float32) for k in range(4)]
    for _ in range(4):
        scope = oh[0] + oh[1] + oh[2] + oh[3]

        def m(s):
            return scope * (dirn == s).astype(jnp.float32)

        oh = [
            oh[0] + m(s9) + m(s1),
            oh[1] + m(s7) + m(s3),
            oh[2] + m(s8) + m(s2),
            oh[3] + m(s4) + m(s6),
        ]
    scope = oh[0] + oh[1] + oh[2] + oh[3]

    row_i = jax.lax.broadcasted_iota(jnp.int32, (_PH, _PH), 0)
    col_i = jax.lax.broadcasted_iota(jnp.int32, (_PH, _PH), 1)
    lin = row_i * _PH + col_i
    mx = jnp.max(scope)
    idx = jnp.min(jnp.where(scope == mx, lin, _N))
    ch = idx // _PH
    cw = idx % _PH
    dist = (ch - row_i) ** 2 + (cw - col_i) ** 2

    qs = []
    for k in range(4):
        q = jnp.round((oh[k] / scope) * _SCALE)
        qs.append(jnp.minimum(q, _SCALE))
    tok = 512.0 * qs[0] + 64.0 * qs[1] + 8.0 * qs[2] + qs[3]

    q_i = jax.lax.broadcasted_iota(jnp.int32, (8, 128), 0)
    m_i = jax.lax.broadcasted_iota(jnp.int32, (8, 128), 1)
    i8 = 4 * q_i + (m_i >> 5)
    j8 = m_i & 31
    dist8 = (ch - i8) ** 2 + (cw - j8) ** 2
    lin8 = i8 * _PH + j8
    d_ot = dist8[None, None, :, :]
    l_ot = lin8[None, None, :, :]
    d_me = dist[:, :, None, None]
    l_me = lin[:, :, None, None]
    gt = (d_ot > d_me).astype(jnp.int32)
    eqlt = ((d_ot == d_me) & (l_ot < l_me)).astype(jnp.int32)
    rank = (gt + eqlt).sum(axis=(2, 3))

    s_sel = jax.lax.broadcasted_iota(jnp.int32, (1, 1, 256), 2)
    pos = (s_sel // _KEEP) * (_N // _LEVELS) + s_sel % _KEEP
    sel = (rank[:, :, None] == pos).astype(jnp.float32)
    out = (sel * tok[:, :, None]).sum(axis=(0, 1), keepdims=True)
    out_ref[0] = out[0].astype(jnp.int32)


def kernel(x):
    B = x.shape[0]
    c = pl.pallas_call(
        _mean_body,
        grid=(B,),
        in_specs=[pl.BlockSpec((1, 3, 512, 512), lambda b: (b, 0, 0, 0))],
        out_specs=pl.BlockSpec((1, 512, 512), lambda b: (b, 0, 0)),
        out_shape=jax.ShapeDtypeStruct((B, 512, 512), jnp.float32),
    )(x)

    p = c.reshape(B, _PH, _FS, _PH, _FS).transpose(0, 1, 3, 2, 4).reshape(B * _N, _FS, _FS)
    half = _FS // 2
    sq_tri = (_FS * _FS - _FS) / 2.0
    sq = _FS * _FS / 2.0
    a = jnp.triu(p)
    bb = jnp.rot90(jnp.flip(jnp.tril(p), axis=1), k=-1, axes=(1, 2))
    d0 = jnp.abs(a - bb).sum(axis=(1, 2)) / sq_tri
    pr = jnp.rot90(p, k=-1, axes=(1, 2))
    a2 = jnp.triu(pr)
    b2 = jnp.rot90(jnp.flip(jnp.tril(pr), axis=1), k=-1, axes=(1, 2))
    d1 = jnp.abs(a2 - b2).sum(axis=(1, 2)) / sq_tri
    d2 = jnp.abs(p[:, :, :half] - p[:, :, half:]).sum(axis=(1, 2)) / sq
    d3 = jnp.abs(p[:, :half, :] - p[:, half:, :]).sum(axis=(1, 2)) / sq
    dirs = jnp.stack([d0, d1, d2, d3], axis=-1)
    dirn = jnp.argmin(dirs, axis=-1).reshape(B, _PH, _PH).astype(jnp.int32)

    out = pl.pallas_call(
        _main_body,
        grid=(B,),
        in_specs=[pl.BlockSpec((1, _PH, _PH), lambda b: (b, 0, 0))],
        out_specs=pl.BlockSpec((1, 1, 256), lambda b: (b, 0, 0)),
        out_shape=jax.ShapeDtypeStruct((B, 1, 256), jnp.int32),
        scratch_shapes=[pltpu.VMEM((34, 34), jnp.int32)],
    )(dirn)
    return out.reshape(B, 256)[:, : _LEVELS * _KEEP]

# --- scband reference (transcript-rebuilt; emitter-appended) ---
"""Pipeline reference for scband-tokenizer-50697793962319 (READ-ONLY COPY).

The authoritative reference and input builder live on the scoring server;
editing this copy changes nothing except your own understanding.
"""

import jax, jax.numpy as jnp
import numpy as np

FOLD_SIZE = 16
FOLDS = 4
LEVELS = 3
LEN_KEEP_LEVEL = 85
SCALE = 8

def setup_inputs(seed: int = 0):
    key = jax.random.key(seed)
    x = jax.random.uniform(key, (64, 3, 512, 512), dtype=jnp.float32)
    return {"x": x}

def _get_directions(p):
    N, ps, _ = p.shape
    half = ps // 2
    sq_tri = (ps * ps - ps) / 2.0
    sq = ps * ps / 2.0
    a = jnp.triu(p)
    b = jnp.tril(p)
    b = jnp.rot90(jnp.flip(b, axis=1), k=-1, axes=(1, 2))
    d0 = jnp.abs(a - b).sum(axis=(1, 2)) / sq_tri
    pr = jnp.rot90(p, k=-1, axes=(1, 2))
    a2 = jnp.triu(pr)
    b2 = jnp.tril(pr)
    b2 = jnp.rot90(jnp.flip(b2, axis=1), k=-1, axes=(1, 2))
    d1 = jnp.abs(a2 - b2).sum(axis=(1, 2)) / sq_tri
    d2 = jnp.abs(p[:, :, :half] - p[:, :, half:]).sum(axis=(1, 2)) / sq
    d3 = jnp.abs(p[:, :half, :] - p[:, half:, :]).sum(axis=(1, 2)) / sq
    dirs = jnp.stack([d0, d1, d2, d3], axis=-1)
    direction = jnp.argmin(dirs, axis=-1)
    one_hot = jax.nn.one_hot(direction, 4, dtype=jnp.float32)
    return direction, one_hot

def _fold(direction, one_hot):
    pad = jnp.pad(direction, ((0, 0), (1, 1), (1, 1)), constant_values=4)
    s7 = pad[:, :-2, :-2]; s8 = pad[:, :-2, 1:-1]; s9 = pad[:, :-2, 2:]
    s4 = pad[:, 1:-1, :-2]; s6 = pad[:, 1:-1, 2:]
    s1 = pad[:, 2:, :-2]; s2 = pad[:, 2:, 1:-1]; s3 = pad[:, 2:, 2:]
    scope = one_hot.sum(-1)
    valid = (direction != 4).astype(one_hot.dtype)
    def m(s):
        return scope * (direction == s).astype(one_hot.dtype) * valid
    one_hot = one_hot.at[..., 0].add(m(s9) + m(s1))
    one_hot = one_hot.at[..., 1].add(m(s7) + m(s3))
    one_hot = one_hot.at[..., 2].add(m(s8) + m(s2))
    one_hot = one_hot.at[..., 3].add(m(s4) + m(s6))
    return one_hot

def _forward_float(x):
    fs = FOLD_SIZE
    B, C, H0, W0 = x.shape
    H = H0 - H0 % fs
    W = W0 - W0 % fs
    x = x[:, :, :H, :W]
    ph = H // fs
    pw = W // fs
    patch = x.reshape(B, C, ph, fs, pw, fs)
    patch = jnp.transpose(patch, (0, 2, 4, 1, 3, 5)).reshape(B, ph * pw, C, fs, fs)
    p = patch.mean(axis=2).reshape(B * ph * pw, fs, fs)
    direction, one_hot = _get_directions(p)
    direction = direction.reshape(B, ph, pw)
    one_hot = one_hot.reshape(B, ph, pw, 4)
    for _ in range(FOLDS):
        one_hot = _fold(direction, one_hot)
    scope = one_hot.sum(-1).reshape(B, ph * pw)
    one_hot = one_hot.reshape(B, ph * pw, 4)
    idx_max = jnp.argmax(scope, axis=-1)
    center = jnp.stack([idx_max // ph, idx_max % ph], axis=1)[:, None, :]
    cord_h = jnp.tile(jnp.arange(ph)[:, None], (1, pw))
    cord_w = jnp.tile(jnp.arange(pw)[None, :], (ph, 1))
    cord = jnp.stack([cord_h, cord_w], axis=2).reshape(ph * pw, 2)
    distance = ((center - cord[None, :, :]) ** 2).sum(-1)
    index = jnp.argsort(-distance, axis=-1)
    one_hot = jnp.take_along_axis(one_hot, index[..., None], axis=1)
    token = one_hot / one_hot.sum(-1, keepdims=True)
    token = jnp.round(token * SCALE)
    token = jnp.minimum(token, float(SCALE))
    L = token.shape[1]
    len_trim = L - L % LEVELS
    token = token[:, :len_trim].reshape(B, LEVELS, -1, 4)
    base = jnp.asarray([SCALE ** 3, SCALE ** 2, SCALE, 1], dtype=token.dtype)
    token = jnp.sum(base * token, -1)
    token = token[:, :, :LEN_KEEP_LEVEL].reshape(B, LEVELS * LEN_KEEP_LEVEL)
    return token

def reference(x):
    return _forward_float(x).astype(jnp.int32)

if __name__ == "__main__":
    import jax
    _d = setup_inputs()
    print(jax.jit(kernel)(*tuple(_d.values())))

</pallas_src>

<mosaic_0001>
module attributes {stable_mosaic.version = 14 : i64} {
  func.func @_mean_body(%arg0: i32, %arg1: memref<1x3x512x512xf32, #tpu.memory_space<vmem>>, %arg2: memref<1x512x512xf32, #tpu.memory_space<vmem>>) attributes {dimension_semantics = [#tpu.dimension_semantics<arbitrary>], iteration_bounds = array<i64: 64>, scalar_prefetch = 0 : i64, scratch_operands = 0 : i64, tpu.core_type = #tpu.core_type<tc>, window_params = [{transform_indices = @transform_0, window_bounds = array<i64: 1, 3, 512, 512>}, {transform_indices = @transform_1, window_bounds = array<i64: 1, 512, 512>}]} {
    %get3A = arith.constant 0 : index
    %get3A_0 = arith.constant 0 : index
    %get3A_1 = arith.constant 0 : index
    %get3A_2 = arith.constant 0 : index
    %get3A_3 = vector.load %arg1[%get3A, %get3A_0, %get3A_1, %get3A_2] : memref<1x3x512x512xf32, #tpu.memory_space<vmem>>, vector<1x3x512x512xf32>
    %get3A_4 = vector.shape_cast %get3A_3 : vector<1x3x512x512xf32> to vector<3x512x512xf32>
    %slice3A = vector.extract_strided_slice %get3A_4 {offsets = [0, 0, 0], sizes = [1, 512, 512], strides = [1, 1, 1]} : vector<3x512x512xf32> to vector<1x512x512xf32>
    %squeeze3A = vector.shape_cast %slice3A : vector<1x512x512xf32> to vector<512x512xf32>
    %slice3A_5 = vector.extract_strided_slice %get3A_4 {offsets = [1, 0, 0], sizes = [1, 512, 512], strides = [1, 1, 1]} : vector<3x512x512xf32> to vector<1x512x512xf32>
    %squeeze3A_6 = vector.shape_cast %slice3A_5 : vector<1x512x512xf32> to vector<512x512xf32>
    %add3A = arith.addf %squeeze3A, %squeeze3A_6 : vector<512x512xf32>
    %slice3A_7 = vector.extract_strided_slice %get3A_4 {offsets = [2, 0, 0], sizes = [1, 512, 512], strides = [1, 1, 1]} : vector<3x512x512xf32> to vector<1x512x512xf32>
    %squeeze3A_8 = vector.shape_cast %slice3A_7 : vector<1x512x512xf32> to vector<512x512xf32>
    %add3A_9 = arith.addf %add3A, %squeeze3A_8 : vector<512x512xf32>
    %div3A = arith.constant 3.000000e+00 : f32
    %div3A_10 = vector.broadcast %div3A : f32 to vector<512x512xf32>
    %div3A_11 = arith.divf %add3A_9, %div3A_10 : vector<512x512xf32>
    %swap3A = arith.constant 0 : index
    %swap3A_12 = arith.constant 0 : index
    %swap3A_13 = arith.constant 0 : index
    %swap3A_14 = vector.load %arg2[%swap3A, %swap3A_12, %swap3A_13] : memref<1x512x512xf32, #tpu.memory_space<vmem>>, vector<1x512x512xf32>
    %swap3A_15 = vector.shape_cast %swap3A_14 : vector<1x512x512xf32> to vector<512x512xf32>
    %swap3A_16 = vector.shape_cast %div3A_11 : vector<512x512xf32> to vector<1x512x512xf32>
    tpu.vector_store %arg2[%swap3A, %swap3A_12, %swap3A_13], %swap3A_16 {strides = array<i32>} : memref<1x512x512xf32, #tpu.memory_space<vmem>>, vector<1x512x512xf32>,
    return
  }
  func.func @transform_0(%arg0: i32) -> (i32, i32, i32, i32) {
    %c0_i32 = arith.constant 0 : i32
    %c0_i32_0 = arith.constant 0 : i32
    %c0_i32_1 = arith.constant 0 : i32
    %c0_i32_2 = arith.constant 0 : i32
    return %arg0, %c0_i32, %c0_i32_0, %c0_i32_1 : i32, i32, i32, i32
  }
  func.func @transform_1(%arg0: i32) -> (i32, i32, i32) {
    %c0_i32 = arith.constant 0 : i32
    %c0_i32_0 = arith.constant 0 : i32
    %c0_i32_1 = arith.constant 0 : i32
    return %arg0, %c0_i32, %c0_i32_0 : i32, i32, i32
  }
}

module attributes {stable_mosaic.version = 14 : i64} {
  func.func @_main_body(%arg0: i32, %arg1: memref<1x32x32xi32, #tpu.memory_space<vmem>>, %arg2: memref<1x1x256xi32, #tpu.memory_space<vmem>>, %arg3: memref<34x34xi32, #tpu.memory_space<vmem>>) attributes {dimension_semantics = [#tpu.dimension_semantics<arbitrary>], iteration_bounds = array<i64: 64>, scalar_prefetch = 0 : i64, scratch_operands = 1 : i64, tpu.core_type = #tpu.core_type<tc>, window_params = [{transform_indices = @transform_0, window_bounds = array<i64: 1, 32, 32>}, {transform_indices = @transform_1, window_bounds = array<i64: 1, 1, 256>}]} {
    %get3A = arith.constant 0 : index
    %get3A_0 = arith.constant 0 : index
    %get3A_1 = arith.constant 0 : index
    %get3A_2 = vector.load %arg1[%get3A, %get3A_0, %get3A_1] : memref<1x32x32xi32, #tpu.memory_space<vmem>>, vector<1x32x32xi32>
    %get3A_3 = vector.shape_cast %get3A_2 : vector<1x32x32xi32> to vector<32x32xi32>
    %broadcast_in_dim3A = arith.constant 4 : i32
    %broadcast_in_dim3A_4 = vector.broadcast %broadcast_in_dim3A : i32 to vector<34x34xi32>
    %swap3A = arith.constant 0 : index
    %swap3A_5 = arith.constant 0 : index
    %swap3A_6 = vector.load %arg3[%swap3A, %swap3A_5] : memref<34x34xi32, #tpu.memory_space<vmem>>, vector<34x34xi32>
    tpu.vector_store %arg3[%swap3A, %swap3A_5], %broadcast_in_dim3A_4 {strides = array<i32>} : memref<34x34xi32, #tpu.memory_space<vmem>>, vector<34x34xi32>,
    %swap3A_7 = arith.constant 1 : index
    %swap3A_8 = arith.constant 1 : index
    %swap3A_9 = vector.load %arg3[%swap3A_7, %swap3A_8] : memref<34x34xi32, #tpu.memory_space<vmem>>, vector<32x32xi32>
    tpu.vector_store %arg3[%swap3A_7, %swap3A_8], %get3A_3 {strides = array<i32>} : memref<34x34xi32, #tpu.memory_space<vmem>>, vector<32x32xi32>,
    %get3A_10 = arith.constant 0 : index
    %get3A_11 = arith.constant 0 : index
    %get3A_12 = vector.load %arg3[%get3A_10, %get3A_11] : memref<34x34xi32, #tpu.memory_space<vmem>>, vector<34x34xi32>
    %slice3A = vector.extract_strided_slice %get3A_12 {offsets = [0, 0], sizes = [32, 32], strides = [1, 1]} : vector<34x34xi32> to vector<32x32xi32>
    %slice3A_13 = vector.extract_strided_slice %get3A_12 {offsets = [0, 1], sizes = [32, 32], strides = [1, 1]} : vector<34x34xi32> to vector<32x32xi32>
    %slice3A_14 = vector.extract_strided_slice %get3A_12 {offsets = [0, 2], sizes = [32, 32], strides = [1, 1]} : vector<34x34xi32> to vector<32x32xi32>
    %slice3A_15 = vector.extract_strided_slice %get3A_12 {offsets = [1, 0], sizes = [32, 32], strides = [1, 1]} : vector<34x34xi32> to vector<32x32xi32>
    %slice3A_16 = vector.extract_strided_slice %get3A_12 {offsets = [1, 2], sizes = [32, 32], strides = [1, 1]} : vector<34x34xi32> to vector<32x32xi32>
    %slice3A_17 = vector.extract_strided_slice %get3A_12 {offsets = [2, 0], sizes = [32, 32], strides = [1, 1]} : vector<34x34xi32> to vector<32x32xi32>
    %slice3A_18 = vector.extract_strided_slice %get3A_12 {offsets = [2, 1], sizes = [32, 32], strides = [1, 1]} : vector<34x34xi32> to vector<32x32xi32>
    %slice3A_19 = vector.extract_strided_slice %get3A_12 {offsets = [2, 2], sizes = [32, 32], strides = [1, 1]} : vector<34x34xi32> to vector<32x32xi32>
    %eq3A = arith.constant 0 : i32
    %eq3A_20 = vector.broadcast %eq3A : i32 to vector<32x32xi32>
    %eq3A_21 = arith.cmpi eq, %get3A_3, %eq3A_20 : vector<32x32xi32>
    %convert_element_type3A = arith.extui %eq3A_21 : vector<32x32xi1> to vector<32x32xi32>
    %convert_element_type3A_22 = arith.sitofp %convert_element_type3A : vector<32x32xi32> to vector<32x32xf32>
    %eq3A_23 = arith.constant 1 : i32
    %eq3A_24 = vector.broadcast %eq3A_23 : i32 to vector<32x32xi32>
    %eq3A_25 = arith.cmpi eq, %get3A_3, %eq3A_24 : vector<32x32xi32>
    %convert_element_type3A_26 = arith.extui %eq3A_25 : vector<32x32xi1> to vector<32x32xi32>
    %convert_element_type3A_27 = arith.sitofp %convert_element_type3A_26 : vector<32x32xi32> to vector<32x32xf32>
    %eq3A_28 = arith.constant 2 : i32
    %eq3A_29 = vector.broadcast %eq3A_28 : i32 to vector<32x32xi32>
    %eq3A_30 = arith.cmpi eq, %get3A_3, %eq3A_29 : vector<32x32xi32>
    %convert_element_type3A_31 = arith.extui %eq3A_30 : vector<32x32xi1> to vector<32x32xi32>
    %convert_element_type3A_32 = arith.sitofp %convert_element_type3A_31 : vector<32x32xi32> to vector<32x32xf32>
    %eq3A_33 = arith.constant 3 : i32
    %eq3A_34 = vector.broadcast %eq3A_33 : i32 to vector<32x32xi32>
    %eq3A_35 = arith.cmpi eq, %get3A_3, %eq3A_34 : vector<32x32xi32>
    %convert_element_type3A_36 = arith.extui %eq3A_35 : vector<32x32xi1> to vector<32x32xi32>
    %convert_element_type3A_37 = arith.sitofp %convert_element_type3A_36 : vector<32x32xi32> to vector<32x32xf32>
    %add3A = arith.addf %convert_element_type3A_22, %convert_element_type3A_27 : vector<32x32xf32>
    %add3A_38 = arith.addf %add3A, %convert_element_type3A_32 : vector<32x32xf32>
    %add3A_39 = arith.addf %add3A_38, %convert_element_type3A_37 : vector<32x32xf32>
    %eq3A_40 = arith.cmpi eq, %get3A_3, %slice3A_14 : vector<32x32xi32>
    %convert_element_type3A_41 = arith.extui %eq3A_40 : vector<32x32xi1> to vector<32x32xi32>
    %convert_element_type3A_42 = arith.sitofp %convert_element_type3A_41 : vector<32x32xi32> to vector<32x32xf32>
    %mul3A = arith.mulf %add3A_39, %convert_element_type3A_42 : vector<32x32xf32>
    %add3A_43 = arith.addf %convert_element_type3A_22, %mul3A : vector<32x32xf32>
    %eq3A_44 = arith.cmpi eq, %get3A_3, %slice3A_17 : vector<32x32xi32>
    %convert_element_type3A_45 = arith.extui %eq3A_44 : vector<32x32xi1> to vector<32x32xi32>
    %convert_element_type3A_46 = arith.sitofp %convert_element_type3A_45 : vector<32x32xi32> to vector<32x32xf32>
    %mul3A_47 = arith.mulf %add3A_39, %convert_element_type3A_46 : vector<32x32xf32>
    %add3A_48 = arith.addf %add3A_43, %mul3A_47 : vector<32x32xf32>
    %eq3A_49 = arith.cmpi eq, %get3A_3, %slice3A : vector<32x32xi32>
    %convert_element_type3A_50 = arith.extui %eq3A_49 : vector<32x32xi1> to vector<32x32xi32>
    %convert_element_type3A_51 = arith.sitofp %convert_element_type3A_50 : vector<32x32xi32> to vector<32x32xf32>
    %mul3A_52 = arith.mulf %add3A_39, %convert_element_type3A_51 : vector<32x32xf32>
    %add3A_53 = arith.addf %convert_element_type3A_27, %mul3A_52 : vector<32x32xf32>
    %eq3A_54 = arith.cmpi eq, %get3A_3, %slice3A_19 : vector<32x32xi32>
    %convert_element_type3A_55 = arith.extui %eq3A_54 : vector<32x32xi1> to vector<32x32xi32>
    %convert_element_type3A_56 = arith.sitofp %convert_element_type3A_55 : vector<32x32xi32> to vector<32x32xf32>
    %mul3A_57 = arith.mulf %add3A_39, %convert_element_type3A_56 : vector<32x32xf32>
    %add3A_58 = arith.addf %add3A_53, %mul3A_57 : vector<32x32xf32>
    %eq3A_59 = arith.cmpi eq, %get3A_3, %slice3A_13 : vector<32x32xi32>
    %convert_element_type3A_60 = arith.extui %eq3A_59 : vector<32x32xi1> to vector<32x32xi32>
    %convert_element_type3A_61 = arith.sitofp %convert_element_type3A_60 : vector<32x32xi32> to vector<32x32xf32>
    %mul3A_62 = arith.mulf %add3A_39, %convert_element_type3A_61 : vector<32x32xf32>
    %add3A_63 = arith.addf %convert_element_type3A_32, %mul3A_62 : vector<32x32xf32>
    %eq3A_64 = arith.cmpi eq, %get3A_3, %slice3A_18 : vector<32x32xi32>
    %convert_element_type3A_65 = arith.extui %eq3A_64 : vector<32x32xi1> to vector<32x32xi32>
    %convert_element_type3A_66 = arith.sitofp %convert_element_type3A_65 : vector<32x32xi32> to vector<32x32xf32>
    %mul3A_67 = arith.mulf %add3A_39, %convert_element_type3A_66 : vector<32x32xf32>
    %add3A_68 = arith.addf %add3A_63, %mul3A_67 : vector<32x32xf32>
    %eq3A_69 = arith.cmpi eq, %get3A_3, %slice3A_15 : vector<32x32xi32>
    %convert_element_type3A_70 = arith.extui %eq3A_69 : vector<32x32xi1> to vector<32x32xi32>
    %convert_element_type3A_71 = arith.sitofp %convert_element_type3A_70 : vector<32x32xi32> to vector<32x32xf32>
    %mul3A_72 = arith.mulf %add3A_39, %convert_element_type3A_71 : vector<32x32xf32>
    %add3A_73 = arith.addf %convert_element_type3A_37, %mul3A_72 : vector<32x32xf32>
    %eq3A_74 = arith.cmpi eq, %get3A_3, %slice3A_16 : vector<32x32xi32>
    %convert_element_type3A_75 = arith.extui %eq3A_74 : vector<32x32xi1> to vector<32x32xi32>
    %convert_element_type3A_76 = arith.sitofp %convert_element_type3A_75 : vector<32x32xi32> to vector<32x32xf32>
    %mul3A_77 = arith.mulf %add3A_39, %convert_element_type3A_76 : vector<32x32xf32>
    %add3A_78 = arith.addf %add3A_73, %mul3A_77 : vector<32x32xf32>
    %add3A_79 = arith.addf %add3A_48, %add3A_58 : vector<32x32xf32>
    %add3A_80 = arith.addf %add3A_79, %add3A_68 : vector<32x32xf32>
    %add3A_81 = arith.addf %add3A_80, %add3A_78 : vector<32x32xf32>
    %eq3A_82 = arith.cmpi eq, %get3A_3, %slice3A_14 : vector<32x32xi32>
    %convert_element_type3A_83 = arith.extui %eq3A_82 : vector<32x32xi1> to vector<32x32xi32>
    %convert_element_type3A_84 = arith.sitofp %convert_element_type3A_83 : vector<32x32xi32> to vector<32x32xf32>
    %mul3A_85 = arith.mulf %add3A_81, %convert_element_type3A_84 : vector<32x32xf32>
    %add3A_86 = arith.addf %add3A_48, %mul3A_85 : vector<32x32xf32>
    %eq3A_87 = arith.cmpi eq, %get3A_3, %slice3A_17 : vector<32x32xi32>
    %convert_element_type3A_88 = arith.extui %eq3A_87 : vector<32x32xi1> to vector<32x32xi32>
    %convert_element_type3A_89 = arith.sitofp %convert_element_type3A_88 : vector<32x32xi32> to vector<32x32xf32>
    %mul3A_90 = arith.mulf %add3A_81, %convert_element_type3A_89 : vector<32x32xf32>
    %add3A_91 = arith.addf %add3A_86, %mul3A_90 : vector<32x32xf32>
    %eq3A_92 = arith.cmpi eq, %get3A_3, %slice3A : vector<32x32xi32>
    %convert_element_type3A_93 = arith.extui %eq3A_92 : vector<32x32xi1> to vector<32x32xi32>
    %convert_element_type3A_94 = arith.sitofp %convert_element_type3A_93 : vector<32x32xi32> to vector<32x32xf32>
    %mul3A_95 = arith.mulf %add3A_81, %convert_element_type3A_94 : vector<32x32xf32>
    %add3A_96 = arith.addf %add3A_58, %mul3A_95 : vector<32x32xf32>
    %eq3A_97 = arith.cmpi eq, %get3A_3, %slice3A_19 : vector<32x32xi32>
    %convert_element_type3A_98 = arith.extui %eq3A_97 : vector<32x32xi1> to vector<32x32xi32>
    %convert_element_type3A_99 = arith.sitofp %convert_element_type3A_98 : vector<32x32xi32> to vector<32x32xf32>
    %mul3A_100 = arith.mulf %add3A_81, %convert_element_type3A_99 : vector<32x32xf32>
    %add3A_101 = arith.addf %add3A_96, %mul3A_100 : vector<32x32xf32>
    %eq3A_102 = arith.cmpi eq, %get3A_3, %slice3A_13 : vector<32x32xi32>
    %convert_element_type3A_103 = arith.extui %eq3A_102 : vector<32x32xi1> to vector<32x32xi32>
    %convert_element_type3A_104 = arith.sitofp %convert_element_type3A_103 : vector<32x32xi32> to vector<32x32xf32>
    %mul3A_105 = arith.mulf %add3A_81, %convert_element_type3A_104 : vector<32x32xf32>
    %add3A_106 = arith.addf %add3A_68, %mul3A_105 : vector<32x32xf32>
    %eq3A_107 = arith.cmpi eq, %get3A_3, %slice3A_18 : vector<32x32xi32>
    %convert_element_type3A_108 = arith.extui %eq3A_107 : vector<32x32xi1> to vector<32x32xi32>
    %convert_element_type3A_109 = arith.sitofp %convert_element_type3A_108 : vector<32x32xi32> to vector<32x32xf32>
    %mul3A_110 = arith.mulf %add3A_81, %convert_element_type3A_109 : vector<32x32xf32>
    %add3A_111 = arith.addf %add3A_106, %mul3A_110 : vector<32x32xf32>
    %eq3A_112 = arith.cmpi eq, %get3A_3, %slice3A_15 : vector<32x32xi32>
    %convert_element_type3A_113 = arith.extui %eq3A_112 : vector<32x32xi1> to vector<32x32xi32>
    %convert_element_type3A_114 = arith.sitofp %convert_element_type3A_113 : vector<32x32xi32> to vector<32x32xf32>
    %mul3A_115 = arith.mulf %add3A_81, %convert_element_type3A_114 : vector<32x32xf32>
    %add3A_116 = arith.addf %add3A_78, %mul3A_115 : vector<32x32xf32>
    %eq3A_117 = arith.cmpi eq, %get3A_3, %slice3A_16 : vector<32x32xi32>
    %convert_element_type3A_118 = arith.extui %eq3A_117 : vector<32x32xi1> to vector<32x32xi32>
    %convert_element_type3A_119 = arith.sitofp %convert_element_type3A_118 : vector<32x32xi32> to vector<32x32xf32>
    %mul3A_120 = arith.mulf %add3A_81, %convert_element_type3A_119 : vector<32x32xf32>
    %add3A_121 = arith.addf %add3A_116, %mul3A_120 : vector<32x32xf32>
    %add3A_122 = arith.addf %add3A_91, %add3A_101 : vector<32x32xf32>
    %add3A_123 = arith.addf %add3A_122, %add3A_111 : vector<32x32xf32>
    %add3A_124 = arith.addf %add3A_123, %add3A_121 : vector<32x32xf32>
    %eq3A_125 = arith.cmpi eq, %get3A_3, %slice3A_14 : vector<32x32xi32>
    %convert_element_type3A_126 = arith.extui %eq3A_125 : vector<32x32xi1> to vector<32x32xi32>
    %convert_element_type3A_127 = arith.sitofp %convert_element_type3A_126 : vector<32x32xi32> to vector<32x32xf32>
    %mul3A_128 = arith.mulf %add3A_124, %convert_element_type3A_127 : vector<32x32xf32>
    %add3A_129 = arith.addf %add3A_91, %mul3A_128 : vector<32x32xf32>
    %eq3A_130 = arith.cmpi eq, %get3A_3, %slice3A_17 : vector<32x32xi32>
    %convert_element_type3A_131 = arith.extui %eq3A_130 : vector<32x32xi1> to vector<32x32xi32>
    %convert_element_type3A_132 = arith.sitofp %convert_element_type3A_131 : vector<32x32xi32> to vector<32x32xf32>
    %mul3A_133 = arith.mulf %add3A_124, %convert_element_type3A_132 : vector<32x32xf32>
    %add3A_134 = arith.addf %add3A_129, %mul3A_133 : vector<32x32xf32>
    %eq3A_135 = arith.cmpi eq, %get3A_3, %slice3A : vector<32x32xi32>
    %convert_element_type3A_136 = arith.extui %eq3A_135 : vector<32x32xi1> to vector<32x32xi32>
    %convert_element_type3A_137 = arith.sitofp %convert_element_type3A_136 : vector<32x32xi32> to vector<32x32xf32>
    %mul3A_138 = arith.mulf %add3A_124, %convert_element_type3A_137 : vector<32x32xf32>
    %add3A_139 = arith.addf %add3A_101, %mul3A_138 : vector<32x32xf32>
    %eq3A_140 = arith.cmpi eq, %get3A_3, %slice3A_19 : vector<32x32xi32>
    %convert_element_type3A_141 = arith.extui %eq3A_140 : vector<32x32xi1> to vector<32x32xi32>
    %convert_element_type3A_142 = arith.sitofp %convert_element_type3A_141 : vector<32x32xi32> to vector<32x32xf32>
    %mul3A_143 = arith.mulf %add3A_124, %convert_element_type3A_142 : vector<32x32xf32>
    %add3A_144 = arith.addf %add3A_139, %mul3A_143 : vector<32x32xf32>
    %eq3A_145 = arith.cmpi eq, %get3A_3, %slice3A_13 : vector<32x32xi32>
    %convert_element_type3A_146 = arith.extui %eq3A_145 : vector<32x32xi1> to vector<32x32xi32>
    %convert_element_type3A_147 = arith.sitofp %convert_element_type3A_146 : vector<32x32xi32> to vector<32x32xf32>
    %mul3A_148 = arith.mulf %add3A_124, %convert_element_type3A_147 : vector<32x32xf32>
    %add3A_149 = arith.addf %add3A_111, %mul3A_148 : vector<32x32xf32>
    %eq3A_150 = arith.cmpi eq, %get3A_3, %slice3A_18 : vector<32x32xi32>
    %convert_element_type3A_151 = arith.extui %eq3A_150 : vector<32x32xi1> to vector<32x32xi32>
    %convert_element_type3A_152 = arith.sitofp %convert_element_type3A_151 : vector<32x32xi32> to vector<32x32xf32>
    %mul3A_153 = arith.mulf %add3A_124, %convert_element_type3A_152 : vector<32x32xf32>
    %add3A_154 = arith.addf %add3A_149, %mul3A_153 : vector<32x32xf32>
    %eq3A_155 = arith.cmpi eq, %get3A_3, %slice3A_15 : vector<32x32xi32>
    %convert_element_type3A_156 = arith.extui %eq3A_155 : vector<32x32xi1> to vector<32x32xi32>
    %convert_element_type3A_157 = arith.sitofp %convert_element_type3A_156 : vector<32x32xi32> to vector<32x32xf32>
    %mul3A_158 = arith.mulf %add3A_124, %convert_element_type3A_157 : vector<32x32xf32>
    %add3A_159 = arith.addf %add3A_121, %mul3A_158 : vector<32x32xf32>
    %eq3A_160 = arith.cmpi eq, %get3A_3, %slice3A_16 : vector<32x32xi32>
    %convert_element_type3A_161 = arith.extui %eq3A_160 : vector<32x32xi1> to vector<32x32xi32>
    %convert_element_type3A_162 = arith.sitofp %convert_element_type3A_161 : vector<32x32xi32> to vector<32x32xf32>
    %mul3A_163 = arith.mulf %add3A_124, %convert_element_type3A_162 : vector<32x32xf32>
    %add3A_164 = arith.addf %add3A_159, %mul3A_163 : vector<32x32xf32>
    %add3A_165 = arith.addf %add3A_134, %add3A_144 : vector<32x32xf32>
    %add3A_166 = arith.addf %add3A_165, %add3A_154 : vector<32x32xf32>
    %add3A_167 = arith.addf %add3A_166, %add3A_164 : vector<32x32xf32>
    %eq3A_168 = arith.cmpi eq, %get3A_3, %slice3A_14 : vector<32x32xi32>
    %convert_element_type3A_169 = arith.extui %eq3A_168 : vector<32x32xi1> to vector<32x32xi32>
    %convert_element_type3A_170 = arith.sitofp %convert_element_type3A_169 : vector<32x32xi32> to vector<32x32xf32>
    %mul3A_171 = arith.mulf %add3A_167, %convert_element_type3A_170 : vector<32x32xf32>
    %add3A_172 = arith.addf %add3A_134, %mul3A_171 : vector<32x32xf32>
    %eq3A_173 = arith.cmpi eq, %get3A_3, %slice3A_17 : vector<32x32xi32>
    %convert_element_type3A_174 = arith.extui %eq3A_173 : vector<32x32xi1> to vector<32x32xi32>
    %convert_element_type3A_175 = arith.sitofp %convert_element_type3A_174 : vector<32x32xi32> to vector<32x32xf32>
    %mul3A_176 = arith.mulf %add3A_167, %convert_element_type3A_175 : vector<32x32xf32>
    %add3A_177 = arith.addf %add3A_172, %mul3A_176 : vector<32x32xf32>
    %eq3A_178 = arith.cmpi eq, %get3A_3, %slice3A : vector<32x32xi32>
    %convert_element_type3A_179 = arith.extui %eq3A_178 : vector<32x32xi1> to vector<32x32xi32>
    %convert_element_type3A_180 = arith.sitofp %convert_element_type3A_179 : vector<32x32xi32> to vector<32x32xf32>
    %mul3A_181 = arith.mulf %add3A_167, %convert_element_type3A_180 : vector<32x32xf32>
    %add3A_182 = arith.addf %add3A_144, %mul3A_181 : vector<32x32xf32>
    %eq3A_183 = arith.cmpi eq, %get3A_3, %slice3A_19 : vector<32x32xi32>
    %convert_element_type3A_184 = arith.extui %eq3A_183 : vector<32x32xi1> to vector<32x32xi32>
    %convert_element_type3A_185 = arith.sitofp %convert_element_type3A_184 : vector<32x32xi32> to vector<32x32xf32>
    %mul3A_186 = arith.mulf %add3A_167, %convert_element_type3A_185 : vector<32x32xf32>
    %add3A_187 = arith.addf %add3A_182, %mul3A_186 : vector<32x32xf32>
    %eq3A_188 = arith.cmpi eq, %get3A_3, %slice3A_13 : vector<32x32xi32>
    %convert_element_type3A_189 = arith.extui %eq3A_188 : vector<32x32xi1> to vector<32x32xi32>
    %convert_element_type3A_190 = arith.sitofp %convert_element_type3A_189 : vector<32x32xi32> to vector<32x32xf32>
    %mul3A_191 = arith.mulf %add3A_167, %convert_element_type3A_190 : vector<32x32xf32>
    %add3A_192 = arith.addf %add3A_154, %mul3A_191 : vector<32x32xf32>
    %eq3A_193 = arith.cmpi eq, %get3A_3, %slice3A_18 : vector<32x32xi32>
    %convert_element_type3A_194 = arith.extui %eq3A_193 : vector<32x32xi1> to vector<32x32xi32>
    %convert_element_type3A_195 = arith.sitofp %convert_element_type3A_194 : vector<32x32xi32> to vector<32x32xf32>
    %mul3A_196 = arith.mulf %add3A_167, %convert_element_type3A_195 : vector<32x32xf32>
    %add3A_197 = arith.addf %add3A_192, %mul3A_196 : vector<32x32xf32>
    %eq3A_198 = arith.cmpi eq, %get3A_3, %slice3A_15 : vector<32x32xi32>
    %convert_element_type3A_199 = arith.extui %eq3A_198 : vector<32x32xi1> to vector<32x32xi32>
    %convert_element_type3A_200 = arith.sitofp %convert_element_type3A_199 : vector<32x32xi32> to vector<32x32xf32>
    %mul3A_201 = arith.mulf %add3A_167, %convert_element_type3A_200 : vector<32x32xf32>
    %add3A_202 = arith.addf %add3A_164, %mul3A_201 : vector<32x32xf32>
    %eq3A_203 = arith.cmpi eq, %get3A_3, %slice3A_16 : vector<32x32xi32>
    %convert_element_type3A_204 = arith.extui %eq3A_203 : vector<32x32xi1> to vector<32x32xi32>
    %convert_element_type3A_205 = arith.sitofp %convert_element_type3A_204 : vector<32x32xi32> to vector<32x32xf32>
    %mul3A_206 = arith.mulf %add3A_167, %convert_element_type3A_205 : vector<32x32xf32>
    %add3A_207 = arith.addf %add3A_202, %mul3A_206 : vector<32x32xf32>
    %add3A_208 = arith.addf %add3A_177, %add3A_187 : vector<32x32xf32>
    %add3A_209 = arith.addf %add3A_208, %add3A_197 : vector<32x32xf32>
    %add3A_210 = arith.addf %add3A_209, %add3A_207 : vector<32x32xf32>
    %iota3A = tpu.iota {dimensions = array<i32: 0>} : vector<32x32xi32>
    %iota3A_211 = tpu.iota {dimensions = array<i32: 1>} : vector<32x32xi32>
    %mul3A_212 = arith.constant 32 : i32
    %mul3A_213 = vector.broadcast %mul3A_212 : i32 to vector<32x32xi32>
    %mul3A_214 = arith.muli %iota3A, %mul3A_213 : vector<32x32xi32>
    %add3A_215 = arith.addi %mul3A_214, %iota3A_211 : vector<32x32xi32>
    %reduce_max3A = vector.shape_cast %add3A_210 : vector<32x32xf32> to vector<1x32x32xf32>
    %reduce_max3A_216 = arith.constant dense<0xFF800000> : vector<1xf32>
    %reduce_max3A_217 = vector.multi_reduction <maximumf>, %reduce_max3A, %reduce_max3A_216 [1, 2] : vector<1x32x32xf32> to vector<1xf32>
    %reduce_max3A_218 = vector.shape_cast %reduce_max3A_217 : vector<1xf32> to vector<1x1x1xf32>
    %reduce_max3A_219 = vector.extract %reduce_max3A_218[0, 0, 0] : f32 from vector<1x1x1xf32>
    %eq3A_220 = vector.broadcast %reduce_max3A_219 : f32 to vector<32x32xf32>
    %eq3A_221 = arith.cmpf oeq, %add3A_210, %eq3A_220 : vector<32x32xf32>
    %jit3A = arith.constant 1024 : i32
    %broadcast_in_dim3A_222 = vector.broadcast %jit3A : i32 to vector<32x32xi32>
    %select_n3A = arith.select %eq3A_221, %add3A_215, %broadcast_in_dim3A_222 : vector<32x32xi1>, vector<32x32xi32>
    %reduce_min3A = vector.shape_cast %select_n3A : vector<32x32xi32> to vector<1x32x32xi32>
    %reduce_min3A_223 = arith.constant dense<2147483647> : vector<1xi32>
    %reduce_min3A_224 = vector.multi_reduction <minsi>, %reduce_min3A, %reduce_min3A_223 [1, 2] : vector<1x32x32xi32> to vector<1xi32>
    %reduce_min3A_225 = vector.shape_cast %reduce_min3A_224 : vector<1xi32> to vector<1x1x1xi32>
    %reduce_min3A_226 = vector.extract %reduce_min3A_225[0, 0, 0] : i32 from vector<1x1x1xi32>
    %jit3A_227 = arith.constant 32 : i32
    %div3A = arith.divsi %reduce_min3A_226, %jit3A_227 : i32
    %sign3A = arith.constant 0 : i32
    %sign3A_228 = arith.cmpi sgt, %reduce_min3A_226, %sign3A : i32
    %sign3A_229 = arith.extui %sign3A_228 : i1 to i32
    %sign3A_230 = arith.constant 0 : i32
    %sign3A_231 = arith.cmpi slt, %reduce_min3A_226, %sign3A_230 : i32
    %sign3A_232 = arith.extui %sign3A_231 : i1 to i32
    %sign3A_233 = arith.subi %sign3A_229, %sign3A_232 : i32
    %sign3A_234 = arith.constant 0 : i32
    %sign3A_235 = arith.cmpi sgt, %jit3A_227, %sign3A_234 : i32
    %sign3A_236 = arith.extui %sign3A_235 : i1 to i32
    %sign3A_237 = arith.constant 0 : i32
    %sign3A_238 = arith.cmpi slt, %jit3A_227, %sign3A_237 : i32
    %sign3A_239 = arith.extui %sign3A_238 : i1 to i32
    %sign3A_240 = arith.subi %sign3A_236, %sign3A_239 : i32
    %ne3A = arith.cmpi ne, %sign3A_233, %sign3A_240 : i32
    %rem3A = arith.remsi %reduce_min3A_226, %jit3A_227 : i32
    %ne3A_241 = arith.constant 0 : i32
    %ne3A_242 = arith.cmpi ne, %rem3A, %ne3A_241 : i32
    %and3A = arith.andi %ne3A, %ne3A_242 : i1
    %sub3A = arith.constant 1 : i32
    %sub3A_243 = arith.subi %div3A, %sub3A : i32
    %select_n3A_244 = arith.select %and3A, %sub3A_243, %div3A : i32
    %jit3A_245 = arith.constant 32 : i32
    %eq3A_246 = arith.constant 0 : i32
    %eq3A_247 = arith.cmpi eq, %jit3A_245, %eq3A_246 : i32
    %jit3A_248 = arith.constant 1 : i32
    %select_n3A_249 = arith.select %eq3A_247, %jit3A_248, %jit3A_245 : i32
    %rem3A_250 = arith.remsi %reduce_min3A_226, %select_n3A_249 : i32
    %ne3A_251 = arith.constant 0 : i32
    %ne3A_252 = arith.cmpi ne, %rem3A_250, %ne3A_251 : i32
    %lt3A = arith.constant 0 : i32
    %lt3A_253 = arith.cmpi slt, %rem3A_250, %lt3A : i32
    %lt3A_254 = arith.constant 0 : i32
    %lt3A_255 = arith.cmpi slt, %select_n3A_249, %lt3A_254 : i32
    %ne3A_256 = arith.xori %lt3A_253, %lt3A_255 : i1
    %and3A_257 = arith.andi %ne3A_256, %ne3A_252 : i1
    %add3A_258 = arith.addi %rem3A_250, %select_n3A_249 : i32
    %select_n3A_259 = arith.select %and3A_257, %add3A_258, %rem3A_250 : i32
    %sub3A_260 = vector.broadcast %select_n3A_244 : i32 to vector<32x32xi32>
    %sub3A_261 = arith.subi %sub3A_260, %iota3A : vector<32x32xi32>
    %integer_pow3A = arith.muli %sub3A_261, %sub3A_261 : vector<32x32xi32>
    %sub3A_262 = vector.broadcast %select_n3A_259 : i32 to vector<32x32xi32>
    %sub3A_263 = arith.subi %sub3A_262, %iota3A_211 : vector<32x32xi32>
    %integer_pow3A_264 = arith.muli %sub3A_263, %sub3A_263 : vector<32x32xi32>
    %add3A_265 = arith.addi %integer_pow3A, %integer_pow3A_264 : vector<32x32xi32>
    %div3A_266 = arith.divf %add3A_177, %add3A_210 : vector<32x32xf32>
    %mul3A_267 = arith.constant 8.000000e+00 : f32
    %mul3A_268 = vector.broadcast %mul3A_267 : f32 to vector<32x32xf32>
    %mul3A_269 = arith.mulf %div3A_266, %mul3A_268 : vector<32x32xf32>
    %round3A = math.roundeven %mul3A_269 : vector<32x32xf32>
    %min3A = arith.constant 8.000000e+00 : f32
    %min3A_270 = vector.broadcast %min3A : f32 to vector<32x32xf32>
    %min3A_271 = arith.minimumf %round3A, %min3A_270 : vector<32x32xf32>
    %div3A_272 = arith.divf %add3A_187, %add3A_210 : vector<32x32xf32>
    %mul3A_273 = arith.constant 8.000000e+00 : f32
    %mul3A_274 = vector.broadcast %mul3A_273 : f32 to vector<32x32xf32>
    %mul3A_275 = arith.mulf %div3A_272, %mul3A_274 : vector<32x32xf32>
    %round3A_276 = math.roundeven %mul3A_275 : vector<32x32xf32>
    %min3A_277 = arith.constant 8.000000e+00 : f32
    %min3A_278 = vector.broadcast %min3A_277 : f32 to vector<32x32xf32>
    %min3A_279 = arith.minimumf %round3A_276, %min3A_278 : vector<32x32xf32>
    %div3A_280 = arith.divf %add3A_197, %add3A_210 : vector<32x32xf32>
    %mul3A_281 = arith.constant 8.000000e+00 : f32
    %mul3A_282 = vector.broadcast %mul3A_281 : f32 to vector<32x32xf32>
    %mul3A_283 = arith.mulf %div3A_280, %mul3A_282 : vector<32x32xf32>
    %round3A_284 = math.roundeven %mul3A_283 : vector<32x32xf32>
    %min3A_285 = arith.constant 8.000000e+00 : f32
    %min3A_286 = vector.broadcast %min3A_285 : f32 to vector<32x32xf32>
    %min3A_287 = arith.minimumf %round3A_284, %min3A_286 : vector<32x32xf32>
    %div3A_288 = arith.divf %add3A_207, %add3A_210 : vector<32x32xf32>
    %mul3A_289 = arith.constant 8.000000e+00 : f32
    %mul3A_290 = vector.broadcast %mul3A_289 : f32 to vector<32x32xf32>
    %mul3A_291 = arith.mulf %div3A_288, %mul3A_290 : vector<32x32xf32>
    %round3A_292 = math.roundeven %mul3A_291 : vector<32x32xf32>
    %min3A_293 = arith.constant 8.000000e+00 : f32
    %min3A_294 = vector.broadcast %min3A_293 : f32 to vector<32x32xf32>
    %min3A_295 = arith.minimumf %round3A_292, %min3A_294 : vector<32x32xf32>
    %mul3A_296 = arith.constant 5.120000e+02 : f32
    %mul3A_297 = vector.broadcast %mul3A_296 : f32 to vector<32x32xf32>
    %mul3A_298 = arith.mulf %mul3A_297, %min3A_271 : vector<32x32xf32>
    %mul3A_299 = arith.constant 6.400000e+01 : f32
    %mul3A_300 = vector.broadcast %mul3A_299 : f32 to vector<32x32xf32>
    %mul3A_301 = arith.mulf %mul3A_300, %min3A_279 : vector<32x32xf32>
    %add3A_302 = arith.addf %mul3A_298, %mul3A_301 : vector<32x32xf32>
    %mul3A_303 = arith.constant 8.000000e+00 : f32
    %mul3A_304 = vector.broadcast %mul3A_303 : f32 to vector<32x32xf32>
    %mul3A_305 = arith.mulf %mul3A_304, %min3A_287 : vector<32x32xf32>
    %add3A_306 = arith.addf %add3A_302, %mul3A_305 : vector<32x32xf32>
    %add3A_307 = arith.addf %add3A_306, %min3A_295 : vector<32x32xf32>
    %iota3A_308 = tpu.iota {dimensions = array<i32: 0>} : vector<8x128xi32>
    %iota3A_309 = tpu.iota {dimensions = array<i32: 1>} : vector<8x128xi32>
    %mul3A_310 = arith.constant 4 : i32
    %mul3A_311 = vector.broadcast %mul3A_310 : i32 to vector<8x128xi32>
    %mul3A_312 = arith.muli %mul3A_311, %iota3A_308 : vector<8x128xi32>
    %shift_right_arithmetic3A = arith.constant 5 : i32
    %shift_right_arithmetic3A_313 = vector.broadcast %shift_right_arithmetic3A : i32 to vector<8x128xi32>
    %shift_right_arithmetic3A_314 = arith.shrsi %iota3A_309, %shift_right_arithmetic3A_313 : vector<8x128xi32>
    %add3A_315 = arith.addi %mul3A_312, %shift_right_arithmetic3A_314 : vector<8x128xi32>
    %and3A_316 = arith.constant 31 : i32
    %and3A_317 = vector.broadcast %and3A_316 : i32 to vector<8x128xi32>
    %and3A_318 = arith.andi %iota3A_309, %and3A_317 : vector<8x128xi32>
    %sub3A_319 = vector.broadcast %select_n3A_244 : i32 to vector<8x128xi32>
    %sub3A_320 = arith.subi %sub3A_319, %add3A_315 : vector<8x128xi32>
    %integer_pow3A_321 = arith.muli %sub3A_320, %sub3A_320 : vector<8x128xi32>
    %sub3A_322 = vector.broadcast %select_n3A_259 : i32 to vector<8x128xi32>
    %sub3A_323 = arith.subi %sub3A_322, %and3A_318 : vector<8x128xi32>
    %integer_pow3A_324 = arith.muli %sub3A_323, %sub3A_323 : vector<8x128xi32>
    %add3A_325 = arith.addi %integer_pow3A_321, %integer_pow3A_324 : vector<8x128xi32>
    %mul3A_326 = arith.constant 32 : i32
    %mul3A_327 = vector.broadcast %mul3A_326 : i32 to vector<8x128xi32>
    %mul3A_328 = arith.muli %add3A_315, %mul3A_327 : vector<8x128xi32>
    %add3A_329 = arith.addi %mul3A_328, %and3A_318 : vector<8x128xi32>
    %broadcast_in_dim3A_330 = vector.shape_cast %add3A_325 : vector<8x128xi32> to vector<1x1x8x128xi32>
    %broadcast_in_dim3A_331 = vector.shape_cast %add3A_329 : vector<8x128xi32> to vector<1x1x8x128xi32>
    %broadcast_in_dim3A_332 = vector.shape_cast %add3A_265 : vector<32x32xi32> to vector<32x32x1x1xi32>
    %broadcast_in_dim3A_333 = vector.shape_cast %add3A_215 : vector<32x32xi32> to vector<32x32x1x1xi32>
    %gt3A = vector.broadcast %broadcast_in_dim3A_330 : vector<1x1x8x128xi32> to vector<32x32x8x128xi32>
    %gt3A_334 = vector.broadcast %broadcast_in_dim3A_332 : vector<32x32x1x1xi32> to vector<32x32x8x128xi32>
    %gt3A_335 = arith.cmpi sgt, %gt3A, %gt3A_334 : vector<32x32x8x128xi32>
    %convert_element_type3A_336 = arith.extui %gt3A_335 : vector<32x32x8x128xi1> to vector<32x32x8x128xi32>
    %eq3A_337 = vector.broadcast %broadcast_in_dim3A_330 : vector<1x1x8x128xi32> to vector<32x32x8x128xi32>
    %eq3A_338 = vector.broadcast %broadcast_in_dim3A_332 : vector<32x32x1x1xi32> to vector<32x32x8x128xi32>
    %eq3A_339 = arith.cmpi eq, %eq3A_337, %eq3A_338 : vector<32x32x8x128xi32>
    %lt3A_340 = vector.broadcast %broadcast_in_dim3A_331 : vector<1x1x8x128xi32> to vector<32x32x8x128xi32>
    %lt3A_341 = vector.broadcast %broadcast_in_dim3A_333 : vector<32x32x1x1xi32> to vector<32x32x8x128xi32>
    %lt3A_342 = arith.cmpi slt, %lt3A_340, %lt3A_341 : vector<32x32x8x128xi32>
    %and3A_343 = arith.andi %eq3A_339, %lt3A_342 : vector<32x32x8x128xi1>
    %convert_element_type3A_344 = arith.extui %and3A_343 : vector<32x32x8x128xi1> to vector<32x32x8x128xi32>
    %add3A_345 = arith.addi %convert_element_type3A_336, %convert_element_type3A_344 : vector<32x32x8x128xi32>
    %reduce_sum3A = arith.constant dense<0> : vector<32x32xi32>
    %reduce_sum3A_346 = vector.multi_reduction <add>, %add3A_345, %reduce_sum3A [2, 3] : vector<32x32x8x128xi32> to vector<32x32xi32>
    %iota3A_347 = tpu.iota {dimensions = array<i32: 2>} : vector<1x1x256xi32>
    %jit3A_348 = arith.constant 85 : i32
    %div3A_349 = vector.broadcast %jit3A_348 : i32 to vector<1x1x256xi32>
    %div3A_350 = arith.divsi %iota3A_347, %div3A_349 : vector<1x1x256xi32>
    %sign3A_351 = arith.constant 0 : i32
    %sign3A_352 = vector.broadcast %sign3A_351 : i32 to vector<1x1x256xi32>
    %sign3A_353 = arith.cmpi sgt, %iota3A_347, %sign3A_352 : vector<1x1x256xi32>
    %sign3A_354 = arith.extui %sign3A_353 : vector<1x1x256xi1> to vector<1x1x256xi32>
    %sign3A_355 = arith.constant 0 : i32
    %sign3A_356 = vector.broadcast %sign3A_355 : i32 to vector<1x1x256xi32>
    %sign3A_357 = arith.cmpi slt, %iota3A_347, %sign3A_356 : vector<1x1x256xi32>
    %sign3A_358 = arith.extui %sign3A_357 : vector<1x1x256xi1> to vector<1x1x256xi32>
    %sign3A_359 = arith.subi %sign3A_354, %sign3A_358 : vector<1x1x256xi32>
    %sign3A_360 = arith.constant 0 : i32
    %sign3A_361 = arith.cmpi sgt, %jit3A_348, %sign3A_360 : i32
    %sign3A_362 = arith.extui %sign3A_361 : i1 to i32
    %sign3A_363 = arith.constant 0 : i32
    %sign3A_364 = arith.cmpi slt, %jit3A_348, %sign3A_363 : i32
    %sign3A_365 = arith.extui %sign3A_364 : i1 to i32
    %sign3A_366 = arith.subi %sign3A_362, %sign3A_365 : i32
    %ne3A_367 = vector.broadcast %sign3A_366 : i32 to vector<1x1x256xi32>
    %ne3A_368 = arith.cmpi ne, %sign3A_359, %ne3A_367 : vector<1x1x256xi32>
    %rem3A_369 = vector.broadcast %jit3A_348 : i32 to vector<1x1x256xi32>
    %rem3A_370 = arith.remsi %iota3A_347, %rem3A_369 : vector<1x1x256xi32>
    %ne3A_371 = arith.constant 0 : i32
    %ne3A_372 = vector.broadcast %ne3A_371 : i32 to vector<1x1x256xi32>
    %ne3A_373 = arith.cmpi ne, %rem3A_370, %ne3A_372 : vector<1x1x256xi32>
    %and3A_374 = arith.andi %ne3A_368, %ne3A_373 : vector<1x1x256xi1>
    %sub3A_375 = arith.constant 1 : i32
    %sub3A_376 = vector.broadcast %sub3A_375 : i32 to vector<1x1x256xi32>
    %sub3A_377 = arith.subi %div3A_350, %sub3A_376 : vector<1x1x256xi32>
    %select_n3A_378 = arith.select %and3A_374, %sub3A_377, %div3A_350 : vector<1x1x256xi1>, vector<1x1x256xi32>
    %mul3A_379 = arith.constant 341 : i32
    %mul3A_380 = vector.broadcast %mul3A_379 : i32 to vector<1x1x256xi32>
    %mul3A_381 = arith.muli %select_n3A_378, %mul3A_380 : vector<1x1x256xi32>
    %jit3A_382 = arith.constant 85 : i32
    %eq3A_383 = arith.constant 0 : i32
    %eq3A_384 = arith.cmpi eq, %jit3A_382, %eq3A_383 : i32
    %jit3A_385 = arith.constant 1 : i32
    %select_n3A_386 = arith.select %eq3A_384, %jit3A_385, %jit3A_382 : i32
    %rem3A_387 = vector.broadcast %select_n3A_386 : i32 to vector<1x1x256xi32>
    %rem3A_388 = arith.remsi %iota3A_347, %rem3A_387 : vector<1x1x256xi32>
    %ne3A_389 = arith.constant 0 : i32
    %ne3A_390 = vector.broadcast %ne3A_389 : i32 to vector<1x1x256xi32>
    %ne3A_391 = arith.cmpi ne, %rem3A_388, %ne3A_390 : vector<1x1x256xi32>
    %lt3A_392 = arith.constant 0 : i32
    %lt3A_393 = vector.broadcast %lt3A_392 : i32 to vector<1x1x256xi32>
    %lt3A_394 = arith.cmpi slt, %rem3A_388, %lt3A_393 : vector<1x1x256xi32>
    %lt3A_395 = arith.constant 0 : i32
    %lt3A_396 = arith.cmpi slt, %select_n3A_386, %lt3A_395 : i32
    %ne3A_397 = vector.broadcast %lt3A_396 : i1 to vector<1x1x256xi1>
    %ne3A_398 = vector.broadcast %ne3A_397 : vector<1x1x256xi1> to vector<1x1x256xi1>
    %ne3A_399 = arith.xori %lt3A_394, %ne3A_398 : vector<1x1x256xi1>
    %and3A_400 = arith.andi %ne3A_399, %ne3A_391 : vector<1x1x256xi1>
    %add3A_401 = vector.broadcast %select_n3A_386 : i32 to vector<1x1x256xi32>
    %add3A_402 = arith.addi %rem3A_388, %add3A_401 : vector<1x1x256xi32>
    %select_n3A_403 = arith.select %and3A_400, %add3A_402, %rem3A_388 : vector<1x1x256xi1>, vector<1x1x256xi32>
    %add3A_404 = arith.addi %mul3A_381, %select_n3A_403 : vector<1x1x256xi32>
    %broadcast_in_dim3A_405 = vector.shape_cast %reduce_sum3A_346 : vector<32x32xi32> to vector<32x32x1xi32>
    %eq3A_406 = vector.broadcast %broadcast_in_dim3A_405 : vector<32x32x1xi32> to vector<32x32x256xi32>
    %eq3A_407 = vector.broadcast %add3A_404 : vector<1x1x256xi32> to vector<32x32x256xi32>
    %eq3A_408 = arith.cmpi eq, %eq3A_406, %eq3A_407 : vector<32x32x256xi32>
    %convert_element_type3A_409 = arith.extui %eq3A_408 : vector<32x32x256xi1> to vector<32x32x256xi32>
    %convert_element_type3A_410 = arith.sitofp %convert_element_type3A_409 : vector<32x32x256xi32> to vector<32x32x256xf32>
    %broadcast_in_dim3A_411 = vector.shape_cast %add3A_307 : vector<32x32xf32> to vector<32x32x1xf32>
    %mul3A_412 = vector.broadcast %broadcast_in_dim3A_411 : vector<32x32x1xf32> to vector<32x32x256xf32>
    %mul3A_413 = arith.mulf %convert_element_type3A_410, %mul3A_412 : vector<32x32x256xf32>
    %reduce_sum3A_414 = arith.constant dense<0.000000e+00> : vector<256xf32>
    %reduce_sum3A_415 = vector.multi_reduction <add>, %mul3A_413, %reduce_sum3A_414 [0, 1] : vector<32x32x256xf32> to vector<256xf32>
    %broadcast_in_dim3A_416 = vector.shape_cast %reduce_sum3A_415 : vector<256xf32> to vector<1x1x256xf32>
    %squeeze3A = vector.shape_cast %broadcast_in_dim3A_416 : vector<1x1x256xf32> to vector<1x256xf32>
    %convert_element_type3A_417 = arith.fptosi %squeeze3A : vector<1x256xf32> to vector<1x256xi32>
    %swap3A_418 = arith.constant 0 : index
    %swap3A_419 = arith.constant 0 : index
    %swap3A_420 = arith.constant 0 : index
    %swap3A_421 = vector.load %arg2[%swap3A_418, %swap3A_419, %swap3A_420] : memref<1x1x256xi32, #tpu.memory_space<vmem>>, vector<1x1x256xi32>
    %swap3A_422 = vector.shape_cast %swap3A_421 : vector<1x1x256xi32> to vector<1x256xi32>
    %swap3A_423 = vector.shape_cast %convert_element_type3A_417 : vector<1x256xi32> to vector<1x1x256xi32>
    tpu.vector_store %arg2[%swap3A_418, %swap3A_419, %swap3A_420], %swap3A_423 {strides = array<i32>} : memref<1x1x256xi32, #tpu.memory_space<vmem>>, vector<1x1x256xi32>,
    return
  }
  func.func @transform_0(%arg0: i32) -> (i32, i32, i32) {
    %c0_i32 = arith.constant 0 : i32
    %c0_i32_0 = arith.constant 0 : i32
    %c0_i32_1 = arith.constant 0 : i32
    return %arg0, %c0_i32, %c0_i32_0 : i32, i32, i32
  }
  func.func @transform_1(%arg0: i32) -> (i32, i32, i32) {
    %c0_i32 = arith.constant 0 : i32
    %c0_i32_0 = arith.constant 0 : i32
    %c0_i32_1 = arith.constant 0 : i32
    return %arg0, %c0_i32, %c0_i32_0 : i32, i32, i32
  }
}

</mosaic_0001>

<sc_bundles>
// kernel: sparse-core-data-format-call.cloned.1.call-start
scs
called_computation_lowered:
.L_overlay_start_0:
0x0: {  	s1 =	sld [smem:$0x3FD9]  }
0x1: {  	s2 =	sld [smem:$0x3FFE];
	_ =	sdelay $0x1  }
0x2: {  	s3 =	srdreg.scid  }
0x3: {  	s0 =	sand.u32 $0x1, s3  }
0x4: {  	s17 =	sshll.u32 s0, $0xA;
	s1 =	sadd.s32 s2, s1  }
0x5: {  	s1 =	sadd.s32 s1, s17  }
0x6: {  	[smem:$0x3FC7] =	sst s1  }
0x7: {  	_ = 	snop  }
0x8: {  	(tm) =	ssettm $0x1  }
0x9: {  	s18 =	sld [smem:$0x3FFB];
	_ =	sdelay $0x3  }
0xa: {  	_ =	strace s18  }
0xb: {  	s1 =	sld [smem:$0x3FFC];
	_ =	sdelay $0x3  }
0xc: {  	_ =	strace s1  }
0xd: {  	s1 =	sld [smem:$0x3FFD];
	_ =	sdelay $0x3  }
0xe: {  	_ =	strace s1  }
0xf: {  	_ =	strace $0x8FFFFFFF  }
0x10: {  	s19 =	sld [smem:$0x3FDB];
	_ =	sdelay $0x1  }
0x11: {  	s20 =	simm.s32 $_scs_section_size  }
0x12: {  	s4 =	simm.s32 $_size__tile_overlayer_lowered;
	s5 =	simm.s32 $_tile_overlayer_lowered  }
0x13: {  	s23 =	simm.s32 $0x1BFF;
	s22 =	sshll.u32 s5, $0x1;
	s1 =	sadd.s32 s20, s19  }
0x14: {  	s6 =	simm.s32 $0x0;
	s21 =	sshll.u32 s4, $0x1;
	s4 =	sadd.s32 s22, s1  }
0x15: {  	[timem:s6], [sflag:s23] =	dma.local [hbm:s4], s21  }
0x16: {  	_ =	swait.ge [sflag:s23], s21  }
0x17: {  	s2 =	ssub.s32 $0x0, s21;
	[sflag:s23] =	ssyncset.done $0x0  }
0x18: {  	[sflag:s23] =	ssyncadd.s32 s2;
	_ =	sdelay $0x1  }
0x19: {  	s24 =	simm.s32 $0x1B8B  }
0x1a: {  	_ =	swait.ge [sflag:s24], $0x1  }
0x1b: {  	[sflag:s24] =	ssyncset.done $0x0  }
0x1c: {  	s26 =	simm.s32 $0x1B8E;
	s25 =	sld [smem:$0x3FFE];
	[sflag:s24] =	ssyncadd.s32 $0xFFFFFFFF  }
0x1d: {  	s27 =	simm.s32 $execute0_lowered;
	[smem:$0x3FD2] =	sst s26  }
0x1e: {  	s4 =	sshll.u32 s27, $0x1;
	_ =	strace $0x80000046;
	[dreg:$0x1] =	wrdreg $0xFFFFFFFF  }
0x1f: {  	s28 =	simm.s32 $_size_execute0_lowered;
	s1 =	sadd.s32 s1, s4;
	[dreg:$0x0] =	wrdreg $0x0  }
0x20: {  	s4 =	sshll.u32 s28, $0x1;
	[dreg:$0x2] =	wrdreg s1  }
0x21: {  	[dreg:$0x3] =	wrdreg s4  }
0x22: {  	[dreg:$0x4] =	wrdreg $0xC0  }
0x23: {  	_ =	task [dreg:s6], $0x5FFFF  }
0x24: {  	[dreg:$0x1] =	wrdreg $0xFFFFFFFF  }
0x25: {  	[dreg:$0x0] =	wrdreg $0x60  }
0x26: {  	[dreg:$0x2] =	wrdreg s25  }
0x27: {  	[dreg:$0x3] =	wrdreg $0x9  }
0x28: {  	_ =	task.clear_ibuf [dreg:s6], $0x4FFFF;
	_ =	strace $0x90000046  }
0x29: {  	s29 =	simm.s32 $0x9;
	_ =	strace $0x80000048  }
0x2a: {  	_ =	swait.ge [sflag:s29], $0x1  }
0x2b: {  	[sflag:s29] =	ssyncadd.s32 $0xFFFFFFFF  }
0x2c: {  	_ =	strace $0x90000048  }
0x2d: {  	_ =	sfence  }
0x2e: {  	s30 =	sld [smem:$0x0];
	_ =	sdelay $0x2  }
0x2f: {  	s31 =	sshll.u32 s3, $0xD;
	s3 =	sshrl.u32 s3, $0x2  }
0x30: {  	s2 =	sand.u32 $0x4000, s31;
	s1 =	sadd.s32 s3, s30  }
0x31: {  	s0 =	sor.u32 s2, s0;
	s1 =	sshll.u32 s1, $0x11  }
0x32: {  	s0 =	sor.u32 s1, s0  }
0x33: {  	s0 =	sadd.s32 $0x8F2B, s0  }
0x34: {  	[sflag:s0] =	ssyncadd.remote.s32 $0x1  }
0x35: {  	_ =	sfence.sel $0xFFFF  }
0x36: {  	[dreg:$0x0] =	wrdreg $0xFFFFFFFF;
	(pc) =	sbr.abs _section_cstart, $3  }
0x37: {  	[dreg:$0x1] =	wrdreg $0xFFFFFFFF  }
0x38: {  	_ =	task.clear_ibuf [dreg:s6], $0x2FFFF;
	_ =	strace $0x9FFFFFFF  }
0x39: {  	(tm) =	ssettm $0x7FFFFFFF  }
tec
execute0_lowered:
.L_overlay_start_1:
0x0: {  	(tag) =	ssettag $0x1  }
0x1: {  	s1 =	rddreg [dreg:$0x0]  }
0x2: {  	s0 =	rddreg [dreg:$0x1];
	_ =	strace $0x80000047  }
0x3: {  	s4 =	srdreg.scid;
	s6 =	simm.s32 $0x2;
	s11 =	simm.s32 $0x0  }
0x4: {  	p0 =	por $0x0, $0x0;
	s12 =	simm.s32 $0x0;
	s13 =	simm.s32 $0x0  }
.Ltmp0:
0x5: {  	s8 =	simm.s32 $0x0;
	s9 =	simm.s32 $0x0;
	(pc) =	sbr.rel .LBB1_1-.Ltmp0, $4  }
0x6: {  	s2 =	sadd.s32 $0x200000, s1;
	s3 =	sadd.s32 $0x600000, s1;
	s4 =	sshll.u32 s4, $0x4  }
0x7: {  	s1 =	stileid.u32;
	s5 =	sand.u32 $0x10, s4;
	s4 =	simm.s32 $0x1  }
0x8: {  	s7 =	simm.s32 $0x0;
	s5 =	sor.u32 s1, s5;
	[sflag:s4] =	ssyncpa.u1 $0x0  }
0x9: {  	[sflag:s6] =	ssyncpa.u1 $0x0;
	s6 =	simm.s32 $0x1000;
	s10 =	smov.u32 s5  }
.LBB1_7:
0xa: {  	s14 =	sadd.s32 $0x10, s8  }
0xb: {  	s11 =	simm.s32 $0x1;
	p2 =	sgt.s32 s14, $0x1F  }
0xc: {  	s11 =	simm.s32 @!p2 $0x0  }
0xd: {  	s15 =	sadd.s32 s11, s9  }
0xe: {  	s17 =	smov.u32 s10;
	s11 =	sadd.s32 $0x20, s10;
	p3 =	sgt.s32 s15, $0xF  }
0xf: {  	p1 =	slt.u32 s7, $0x2;
	s17 =	smov.u32 @p3 s11  }
0x10: {  	s7 =	sadd.s32 $0x1, s7;
	s14 =	simm.s32 @p2 $0x0;
	p2 =	sgt.s32 s17, $0x1F  }
0x11: {  	s17 =	smov.u32 @p2 s5;
	p2 =	sne.s32 s7, $0x22  }
.Ltmp1:
0x12: {  	s16 =	simm.s32 @!p1 $0x2;
	(pc) =	sbr.rel @!p2 .LBB1_8-.Ltmp1, $4  }
0x13: {  	s12 =	smov.u32 s9;
	_ =	swait.ge @!p1 [sflag:s16], $0x4000  }
0x14: {  	s13 =	smov.u32 s10;
	p0 =	por !p0, !p0;
	[sflag:s16] =	ssyncset.done @!p1 $0x0  }
0x15: {  	[sflag:s16] =	ssyncadd.s32 @!p1 $0xFFFFC000;
	s15 =	simm.s32 @p3 $0x0;
	s11 =	smov.u32 s8  }
0x16: {  	s8 =	smov.u32 s14;
	s9 =	smov.u32 s15;
	s10 =	smov.u32 s17  }
.LBB1_1:
0x17: {  	p1 =	sgt.u32 s7, $0x1F  }
0x18: {  	s14 =	sxor.u32 @!p1 $0xFFFFFFFF, s7;
	s15 =	sshll.u32 @!p1 s10, $0x11  }
0x19: {  	s16 =	sshll.u32 @!p1 s9, $0xD;
	s14 =	sshll.u32 @!p1 s14, $0xE;
	s15 =	sadd.s32 @!p1 s2, s15  }
0x1a: {  	s17 =	sshll.u32 @!p1 s8, $0x8;
	s14 =	sand.u32 @!p1 $0x4000, s14;
	s15 =	sadd.s32 @!p1 s16, s15  }
0x1b: {  	s16 =	simm.s32 @!p1 $0x40;
	s15 =	sadd.s32 @!p1 s17, s15;
	s17 =	simm.s32 @!p1 $0x80  }
0x1c: {  	[tilespmem:s14], [sflag:$0x1] =	stream.strided.gather @!p1 [hbm4b:s15+s16], $0x4000, s17, s16, $0x38;
	[tilespmem:$0x10800] =	vst v63  }
0x1d: {  	p1 =	seq.s32 s7, $0x0  }
0x1e: {  	p2 =	seq.s32 @!p1 s7, $0x21  }
0x1f: {  	p1 =	por p1, p2  }
.Ltmp2:
0x20: {  	_ = 	snop;
	(pc) =	sbr.rel @p1 .LBB1_7-.Ltmp2, $1  }
0x21: {  	_ =	sdelay $0x3  }
0x22: {  	s14 =	simm.s32 $0x1;
	s16 =	sand.u32 $0x1, s7  }
0x23: {  	_ =	swait.ge [sflag:s4], $0x4000;
	s14 =	simm.s32 @!p0 $0x0;
	s17 =	smul.u32 $0x11000, s16  }
0x24: {  	[sflag:s4] =	ssyncset.done $0x0;
	s15 =	smul.u32 $0x11000, s14  }
0x25: {  	s14 =	sshll.u32 s14, $0xE;
	[sflag:s4] =	ssyncadd.s32 $0xFFFFC000  }
0x26: {  	s16 =	sor.u32 $0x20, s14;
	s31 =	sshrl.u32 s17, $0x2;
	s15 =	sshrl.u32 s15, $0x2  }
0x27: {  	s17 =	simm.s32 $0x0;
	s14 =	sor.u32 $0x8000, s31;
	s15 =	sor.u32 $0x8000, s15  }
.LBB1_3:
0x28: {  	v3 =	vld [tilespmem:s16+$0x10]  }
0x29: {  	v2 =	vld [tilespmem:s16+$0xFFFFFFF0]  }
0x2a: {  	v0 =	vld [tilespmem:s16+$0x0]  }
0x2b: {  	v1 =	vld [tilespmem:s16+$0xFFFFFFE0]  }
0x2c: {  	s18 =	sadd.s32 $0x0, s15  }
0x2d: {  	s19 =	simm.s32 $0x1100;
	s20 =	sadd.s32 $0x40, s16;
	[tilespmem:s18+$0x330 ss:$0x11] =	vst.msk $0xffff, v3  }
.LBB1_4:
0x2e: {  	v3 =	vld [tilespmem:s20+$0x10];
	p1 =	sne.s32 s19, $0xFF00;
	[tilespmem:s18+$0x110 ss:$0x11] =	vst.msk $0xffff, v2;
	s21 =	smov.u32 s19;
	s19 =	sadd.s32 $0x1100, s19  }
.Ltmp3:
0x2f: {  	v2 =	vld [tilespmem:s20+$0xFFFFFFF0];
	[tilespmem:s18+$0x220 ss:$0x11] =	vst.msk $0xffff, v0;
	(pc) =	sbr.rel @p1 .LBB1_4-.Ltmp3, $4  }
0x30: {  	v0 =	vld [tilespmem:s20+$0x0];
	[tilespmem:s18+$0x0 ss:$0x11] =	vst.msk $0xffff, v1  }
0x31: {  	s18 =	sshra.s32 s21, $0x2;
	v1 =	vld [tilespmem:s20+$0xFFFFFFE0]  }
0x32: {  	s18 =	sadd.s32 s18, s15  }
0x33: {  	s20 =	sadd.s32 $0x40, s20;
	[tilespmem:s18+$0x330 ss:$0x11] =	vst.msk $0xffff, v3  }
0x34: {  	s17 =	sadd.s32 $0x1, s17  }
0x35: {  	p1 =	sne.s32 s17, $0x10  }
.Ltmp4:
0x36: {  	_ = 	snop;
	(pc) =	sbr.rel @p1 .LBB1_3-.Ltmp4, $4  }
0x37: {  	_ = 	snop  }
0x38: {  	[tilespmem:s18+$0x110 ss:$0x11] =	vst.msk $0xffff, v2  }
0x39: {  	[tilespmem:s18+$0x220 ss:$0x11] =	vst.msk $0xffff, v0  }
0x3a: {  	s15 =	sadd.s32 $0x1, s15;
	s16 =	sadd.s32 $0x400, s16;
	[tilespmem:s18+$0x0 ss:$0x11] =	vst.msk $0xffff, v1  }
0x3b: {  	s13 =	sshll.u32 s13, $0x7;
	s15 =	sshll.u32 s11, $0x3  }
0x3c: {  	s12 =	sshll.u32 s12, $0x13;
	s16 =	sand.u32 $0xC00, s13;
	s15 =	sand.u32 $0xC00, s15  }
0x3d: {  	s30 =	sshrl.u32 s11, $0x3;
	s13 =	sand.u32 $0x380, s13;
	s15 =	sadd.s32 s16, s15  }
.Ltmp5:
0x3e: {  	s31 =	sand.u32 $0x7, s11;
	s13 =	sor.u32 s13, s15;
	(pc) =	sbr.rel .LBB1_7-.Ltmp5, $4  }
0x3f: {  	s12 =	sadd.s32 s3, s12;
	s15 =	sand.u32 $0xF, s30;
	s13 =	sshrl.u32 s13, $0x3  }
0x40: {  	s11 =	sshll.u32 s31, $0x12;
	s12 =	sadd.s32 s15, s12;
	s13 =	sand.u32 $0x1F0, s13  }
0x41: {  	s11 =	sor.u32 $0x10, s11;
	s12 =	sadd.s32 s13, s12  }
0x42: {  	[hbm4b:s12+s11] =	stream.strided.scatter [tilespmem:s14], [sflag:$0x2], $0x4000, s6, s11, $0x8;
	[tilespmem:$0x10800] =	vst v63  }
.LBB1_8:
0x43: {  	_ =	sfence.sel $0x180000  }
0x44: {  	s2 =	simm.s32 $0x1;
	[bflag:$0x0] =	sbarrier.arrive $0xFFFF  }
0x45: {  	s31 =	simm.s32 $0x2;
	[sflag:s2] =	ssyncpa.u1 $0x1  }
0x46: {  	[sflag:s31] =	ssyncpa.u1 $0x1  }
0x47: {  	p0 =	sne.s32 s1, $0x0;
	_ =	strace $0x90000047  }
0x48: {  	s0 =	sadd.s32 @!p0 $0x100000, s0;
	[bflag:$0x2] =	sbarrier.arrive $0xFFFF  }
0x49: {  	[sflag:s0] =	ssyncadd.tile.s32 @!p0 $0x1;
	_ =	shalt  }
.Lfunc_end1:
_tile_overlayer_lowered:
.L_overlay_start_2:
0x4a: {  	(tag) =	ssettag $0x2  }
0x4b: {  	s0 =	rddreg [dreg:$0x0];
	s2 =	stileid.u32  }
0x4c: {  	s1 =	rddreg [dreg:$0x1];
	p0 =	sne.s32 s2, $0x0  }
0x4d: {  	s3 =	rddreg [dreg:$0x2];
	[bflag:$0x3] =	sbarrier.arrive $0xFFFF;
	s2 =	simm.s32 @!p0 $0x1C01  }
0x4e: {  	[timem:s3], [sflag:s2] =	dma.local @!p0 [hbm:s0], s1  }
0x4f: {  	s0 =	simm.s32 @!p0 $0x1  }
0x50: {  	_ =	swait.ge @!p0 [sflag:s0], s1  }
0x51: {  	s1 =	ssub.s32 @!p0 $0x0, s1;
	[sflag:s0] =	ssyncset.done @!p0 $0x0  }
0x52: {  	[sflag:s0] =	ssyncadd.s32 @!p0 s1  }
0x53: {  	[bflag:$0x3] =	sbarrier.arrive $0xFFFF  }
0x54: {  	_ =	shalt  }

</sc_bundles>
